<compile_context>
chip_gen: v7x
topology: tpu7x:2x2x1
jax: 0.10.2.dev20260603
libtpu: 0.0.44.dev20260713+nightly
codegen_flags: <defaults>
</compile_context>

<pallas_src>
import functools

import jax
import jax.numpy as jnp
from jax import lax
from jax.experimental import pallas as pl
from jax.experimental.pallas import tpu as pltpu
from jax.experimental.pallas import tpu_sc as plsc

N_ROWS = 100000
D = 128
N_SEG = 1024
NC = 2
NS = 16
HALF = N_ROWS // NC
UNIT = 128
FULL_UNITS = HALF // UNIT
TAIL = HALF - FULL_UNITS * UNIT
SEG_PER_SUB = N_SEG // NS
MAX_K = (FULL_UNITS + NS - 1) // NS


def _sc_partials(X, I, Z):
    mesh = plsc.VectorSubcoreMesh(core_axis_name="c", subcore_axis_name="s")

    @functools.partial(
        pl.kernel,
        out_type=jax.ShapeDtypeStruct((NC * N_SEG, D), jnp.float32),
        mesh=mesh,
        scratch_types=[
            pltpu.VMEM((2, UNIT), jnp.int32),
            pltpu.VMEM((2, UNIT, D), jnp.float32),
            pltpu.VMEM((TAIL,), jnp.int32),
            pltpu.VMEM((TAIL, D), jnp.float32),
            pltpu.VMEM_SHARED((N_SEG, D), jnp.float32),
            pltpu.SemaphoreType.DMA,
            pltpu.SemaphoreType.DMA,
        ],
    )
    def body(x_hbm, i_hbm, z_hbm, out_hbm, idx_v, rows_v, idxt_v, rowst_v,
             acc_sh, sem0, sem1):
        c = lax.axis_index("c")
        s = lax.axis_index("s")
        pltpu.sync_copy(
            z_hbm.at[pl.ds(s * SEG_PER_SUB, SEG_PER_SUB)],
            acc_sh.at[pl.ds(s * SEG_PER_SUB, SEG_PER_SUB)],
        )
        plsc.subcore_barrier()

        base = c * HALF
        sems = (sem0, sem1)

        def fetch(k, bi):
            u = s + k * NS

            @pl.when(u < FULL_UNITS)
            def _():
                r0 = base + u * UNIT
                pltpu.async_copy(i_hbm.at[pl.ds(r0, UNIT)], idx_v.at[bi], sems[bi])
                pltpu.async_copy(x_hbm.at[pl.ds(r0, UNIT)], rows_v.at[bi], sems[bi])

        def flush(k, bi):
            u = s + k * NS

            @pl.when(u < FULL_UNITS)
            def _():
                r0 = base + u * UNIT
                pltpu.make_async_copy(
                    i_hbm.at[pl.ds(r0, UNIT)], idx_v.at[bi], sems[bi]).wait()
                pltpu.make_async_copy(
                    x_hbm.at[pl.ds(r0, UNIT)], rows_v.at[bi], sems[bi]).wait()
                pltpu.sync_copy(rows_v.at[bi], acc_sh.at[idx_v.at[bi]], add=True)

        fetch(0, 0)

        def step(kk, carry):
            k0 = 2 * kk
            fetch(k0 + 1, 1)
            flush(k0, 0)
            fetch(k0 + 2, 0)
            flush(k0 + 1, 1)
            return carry

        lax.fori_loop(0, (MAX_K + 1) // 2, step, 0)

        @pl.when(s == NS - 1)
        def _():
            r0 = base + FULL_UNITS * UNIT
            pltpu.sync_copy(i_hbm.at[pl.ds(r0, TAIL)], idxt_v)
            pltpu.sync_copy(x_hbm.at[pl.ds(r0, TAIL)], rowst_v)
            pltpu.sync_copy(rowst_v, acc_sh.at[idxt_v], add=True)

        plsc.subcore_barrier()
        pltpu.sync_copy(
            acc_sh.at[pl.ds(s * SEG_PER_SUB, SEG_PER_SUB)],
            out_hbm.at[pl.ds(c * N_SEG + s * SEG_PER_SUB, SEG_PER_SUB)],
        )

    return body(X, I, Z)


def _combine(p):
    def body(p_ref, o_ref):
        o_ref[...] = p_ref[0] + p_ref[1]

    blk = N_SEG // 8
    return pl.pallas_call(
        body,
        out_shape=jax.ShapeDtypeStruct((N_SEG, D), jnp.float32),
        grid=(8,),
        in_specs=[pl.BlockSpec((2, blk, D), lambda i: (0, i, 0))],
        out_specs=pl.BlockSpec((blk, D), lambda i: (i, 0)),
    )(p)


def kernel(X, I):
    if I.ndim == 2:
        I = I[:, 0]
    I = I.astype(jnp.int32)
    Z = jnp.zeros((N_SEG, D), jnp.float32)
    partials = _sc_partials(X, I, Z)
    return _combine(partials.reshape(NC, N_SEG, D))

# --- scband reference (transcript-rebuilt; emitter-appended) ---
"""Pipeline reference for scband-global-pool-21792664060771 (READ-ONLY COPY).

The authoritative reference and input builder live on the scoring server;
editing this copy changes nothing except your own understanding.
"""

import jax, jax.numpy as jnp
import numpy as np

NUM_SEGMENTS = 1024
N_NODES = 100000
D_FEAT = 128


def setup_inputs(seed: int = 0) -> dict:
    key = jax.random.key(seed)
    kx, ki = jax.random.split(key)
    X = jax.random.normal(kx, (N_NODES, D_FEAT), dtype=jnp.float32)
    I = jnp.sort(jax.random.randint(ki, (N_NODES,), 0, NUM_SEGMENTS, dtype=jnp.int32))
    return {"X": X, "I": I}


def reference(X, I):
    # GlobalPool in 'disjoint' mode: inputs = [X, I].
    # Base class delegates to self.pooling_op(X, I); the canonical concrete
    # instantiation (GlobalSumPool) uses a segment sum over graph ids I.
    if I.ndim == 2:
        I = I[:, 0]
    return jax.ops.segment_sum(X, I, num_segments=NUM_SEGMENTS)

if __name__ == "__main__":
    import jax
    _d = setup_inputs()
    print(jax.jit(kernel)(*tuple(_d.values())))

</pallas_src>

<mosaic_0001>
#map = affine_map<(d0, d1) -> (0, 0)>
#map1 = affine_map<(d0, d1) -> (0)>
module attributes {stable_mosaic.version = 14 : i64} {
  func.func @body(%arg0: i32, %arg1: i32, %arg2: memref<100000x128xf32, #tpu.memory_space<hbm>>, %arg3: memref<100000xi32, #tpu.memory_space<hbm>>, %arg4: memref<1024x128xf32, #tpu.memory_space<hbm>>, %arg5: memref<2048x128xf32, #tpu.memory_space<hbm>>, %arg6: memref<2x128xi32, #tpu.memory_space<vmem>>, %arg7: memref<2x128x128xf32, #tpu.memory_space<vmem>>, %arg8: memref<80xi32, #tpu.memory_space<vmem>>, %arg9: memref<80x128xf32, #tpu.memory_space<vmem>>, %arg10: memref<1024x128xf32, #tpu.memory_space<vmem_shared>>, %arg11: memref<!tpu.dma_semaphore, #tpu.memory_space<semaphore_mem>>, %arg12: memref<!tpu.dma_semaphore, #tpu.memory_space<semaphore_mem>>) attributes {dimension_semantics = [#tpu.dimension_semantics<core_parallel>, #tpu.dimension_semantics<subcore_parallel>], iteration_bounds = array<i64: 2, 16>, scalar_prefetch = 0 : i64, scratch_operands = 7 : i64, tpu.core_type = #tpu.core_type<sc_vector_subcore>, window_params = [{transform_indices = #map}, {transform_indices = #map1}, {transform_indices = #map}, {transform_indices = #map}]} {
    %mul3A = arith.constant 64 : i32
    %mul3A_0 = arith.muli %arg1, %mul3A : i32
    %mul3A_1 = arith.constant 64 : i32
    %mul3A_2 = arith.muli %arg1, %mul3A_1 : i32
    "tpu.region"() ({
      %run_scoped3A = tpu.sem_alloc : memref<!tpu.dma_semaphore, #tpu.memory_space<semaphore_mem>>
      %dma_start3A = arith.constant 0 : i32
      %dma_start3A_25 = tpu.memref_slice %arg10[%mul3A_2, %dma_start3A] : memref<1024x128xf32, #tpu.memory_space<vmem_shared>> -> memref<64x128xf32, #tpu.memory_space<vmem_shared>>
      %dma_start3A_26 = arith.constant 0 : i32
      %dma_start3A_27 = tpu.memref_slice %arg4[%mul3A_0, %dma_start3A_26] : memref<1024x128xf32, #tpu.memory_space<hbm>> -> memref<64x128xf32, #tpu.memory_space<hbm>>
      tpu.enqueue_dma source(%dma_start3A_27 : memref<64x128xf32, #tpu.memory_space<hbm>>) target(%dma_start3A_25 : memref<64x128xf32, #tpu.memory_space<vmem_shared>>) target_semaphore(%run_scoped3A : memref<!tpu.dma_semaphore, #tpu.memory_space<semaphore_mem>>)
      %dma_wait3A = arith.constant 0 : i32
      %dma_wait3A_28 = tpu.memref_slice %arg10[%mul3A_2, %dma_wait3A] : memref<1024x128xf32, #tpu.memory_space<vmem_shared>> -> memref<64x128xf32, #tpu.memory_space<vmem_shared>>
      %dma_wait3A_29 = arith.constant 0 : i32
      %dma_wait3A_30 = tpu.memref_slice %arg4[%mul3A_0, %dma_wait3A_29] : memref<1024x128xf32, #tpu.memory_space<hbm>> -> memref<64x128xf32, #tpu.memory_space<hbm>>
      tpu.wait_dma2 semaphore(%run_scoped3A : memref<!tpu.dma_semaphore, #tpu.memory_space<semaphore_mem>>) src(%dma_wait3A_30 : memref<64x128xf32, #tpu.memory_space<hbm>>) dst(%dma_wait3A_28 : memref<64x128xf32, #tpu.memory_space<vmem_shared>>)
      tpu.yield
    }) : () -> ()
    %barrier3A = arith.constant 0 : index
    tpu.barrier barrier_id(%barrier3A)
    %mul3A_3 = arith.constant 50000 : i32
    %mul3A_4 = arith.muli %arg0, %mul3A_3 : i32
    %add3A = arith.constant 0 : i32
    %add3A_5 = arith.addi %arg1, %add3A : i32
    %lt3A = arith.constant 390 : i32
    %lt3A_6 = arith.cmpi slt, %add3A_5, %lt3A : i32
    %convert_element_type3A = arith.extui %lt3A_6 : i1 to i32
    %cond3A = arith.constant 0 : i32
    %cond3A_7 = arith.cmpi ne, %convert_element_type3A, %cond3A : i32
    scf.if %cond3A_7 {
      %mul3A_25 = arith.constant 128 : i32
      %mul3A_26 = arith.muli %add3A_5, %mul3A_25 : i32
      %add3A_27 = arith.addi %mul3A_4, %mul3A_26 : i32
      %dma_start3A = arith.constant 0 : i32
      %dma_start3A_28 = arith.constant 0 : i32
      %dma_start3A_29 = tpu.memref_slice %arg6[%dma_start3A, %dma_start3A_28] : memref<2x128xi32, #tpu.memory_space<vmem>> -> memref<1x128xi32, #tpu.memory_space<vmem>>
      %dma_start3A_30 = tpu.memref_squeeze %dma_start3A_29 : memref<1x128xi32, #tpu.memory_space<vmem>> -> memref<128xi32, #tpu.memory_space<vmem>>
      %dma_start3A_31 = tpu.memref_slice %arg3[%add3A_27] : memref<100000xi32, #tpu.memory_space<hbm>> -> memref<128xi32, #tpu.memory_space<hbm>>
      %dma_start3A_32 = arith.constant 0 : i32
      %dma_start3A_33 = tpu.memref_slice %arg6[%dma_start3A, %dma_start3A_32] : memref<2x128xi32, #tpu.memory_space<vmem>> -> memref<1x128xi32, #tpu.memory_space<vmem>>
      %dma_start3A_34 = tpu.memref_squeeze %dma_start3A_33 : memref<1x128xi32, #tpu.memory_space<vmem>> -> memref<128xi32, #tpu.memory_space<vmem>>
      %dma_start3A_35 = tpu.memref_slice %arg3[%add3A_27] : memref<100000xi32, #tpu.memory_space<hbm>> -> memref<128xi32, #tpu.memory_space<hbm>>
      tpu.enqueue_dma source(%dma_start3A_35 : memref<128xi32, #tpu.memory_space<hbm>>) target(%dma_start3A_34 : memref<128xi32, #tpu.memory_space<vmem>>) target_semaphore(%arg11 : memref<!tpu.dma_semaphore, #tpu.memory_space<semaphore_mem>>)
      %dma_start3A_36 = arith.constant 0 : i32
      %dma_start3A_37 = arith.constant 0 : i32
      %dma_start3A_38 = arith.constant 0 : i32
      %dma_start3A_39 = tpu.memref_slice %arg7[%dma_start3A_36, %dma_start3A_37, %dma_start3A_38] : memref<2x128x128xf32, #tpu.memory_space<vmem>> -> memref<1x128x128xf32, #tpu.memory_space<vmem>>
      %dma_start3A_40 = tpu.memref_squeeze %dma_start3A_39 : memref<1x128x128xf32, #tpu.memory_space<vmem>> -> memref<128x128xf32, #tpu.memory_space<vmem>>
      %dma_start3A_41 = arith.constant 0 : i32
      %dma_start3A_42 = tpu.memref_slice %arg2[%add3A_27, %dma_start3A_41] : memref<100000x128xf32, #tpu.memory_space<hbm>> -> memref<128x128xf32, #tpu.memory_space<hbm>>
      %dma_start3A_43 = arith.constant 0 : i32
      %dma_start3A_44 = arith.constant 0 : i32
      %dma_start3A_45 = tpu.memref_slice %arg7[%dma_start3A_36, %dma_start3A_43, %dma_start3A_44] : memref<2x128x128xf32, #tpu.memory_space<vmem>> -> memref<1x128x128xf32, #tpu.memory_space<vmem>>
      %dma_start3A_46 = tpu.memref_squeeze %dma_start3A_45 : memref<1x128x128xf32, #tpu.memory_space<vmem>> -> memref<128x128xf32, #tpu.memory_space<vmem>>
      %dma_start3A_47 = arith.constant 0 : i32
      %dma_start3A_48 = tpu.memref_slice %arg2[%add3A_27, %dma_start3A_47] : memref<100000x128xf32, #tpu.memory_space<hbm>> -> memref<128x128xf32, #tpu.memory_space<hbm>>
      tpu.enqueue_dma source(%dma_start3A_48 : memref<128x128xf32, #tpu.memory_space<hbm>>) target(%dma_start3A_46 : memref<128x128xf32, #tpu.memory_space<vmem>>) target_semaphore(%arg11 : memref<!tpu.dma_semaphore, #tpu.memory_space<semaphore_mem>>)
    } else {
    }
    %scan3A = arith.constant 0 : i32
    %scan3A_8 = arith.constant 0 : i32
    %scan3A_9 = arith.constant 13 : i32
    %scan3A_10 = arith.addi %scan3A_8, %scan3A_9 : i32
    %scan3A_11 = arith.constant 1 : i32
    scf.for %scan3A_25 = %scan3A_8 to %scan3A_10 step %scan3A_11  : i32 {
      %mul3A_26 = arith.constant 2 : i32
      %mul3A_27 = arith.muli %mul3A_26, %scan3A_25 : i32
      %add3A_28 = arith.constant 1 : i32
      %add3A_29 = arith.addi %mul3A_27, %add3A_28 : i32
      %mul3A_30 = arith.constant 16 : i32
      %mul3A_31 = arith.muli %add3A_29, %mul3A_30 : i32
      %add3A_32 = arith.addi %arg1, %mul3A_31 : i32
      %lt3A_33 = arith.constant 390 : i32
      %lt3A_34 = arith.cmpi slt, %add3A_32, %lt3A_33 : i32
      %convert_element_type3A_35 = arith.extui %lt3A_34 : i1 to i32
      %cond3A_36 = arith.constant 0 : i32
      %cond3A_37 = arith.cmpi ne, %convert_element_type3A_35, %cond3A_36 : i32
      scf.if %cond3A_37 {
        %mul3A_66 = arith.constant 128 : i32
        %mul3A_67 = arith.muli %add3A_32, %mul3A_66 : i32
        %add3A_68 = arith.addi %mul3A_4, %mul3A_67 : i32
        %dma_start3A = arith.constant 1 : i32
        %dma_start3A_69 = arith.constant 0 : i32
        %dma_start3A_70 = tpu.memref_slice %arg6[%dma_start3A, %dma_start3A_69] : memref<2x128xi32, #tpu.memory_space<vmem>> -> memref<1x128xi32, #tpu.memory_space<vmem>>
        %dma_start3A_71 = tpu.memref_squeeze %dma_start3A_70 : memref<1x128xi32, #tpu.memory_space<vmem>> -> memref<128xi32, #tpu.memory_space<vmem>>
        %dma_start3A_72 = tpu.memref_slice %arg3[%add3A_68] : memref<100000xi32, #tpu.memory_space<hbm>> -> memref<128xi32, #tpu.memory_space<hbm>>
        %dma_start3A_73 = arith.constant 0 : i32
        %dma_start3A_74 = tpu.memref_slice %arg6[%dma_start3A, %dma_start3A_73] : memref<2x128xi32, #tpu.memory_space<vmem>> -> memref<1x128xi32, #tpu.memory_space<vmem>>
        %dma_start3A_75 = tpu.memref_squeeze %dma_start3A_74 : memref<1x128xi32, #tpu.memory_space<vmem>> -> memref<128xi32, #tpu.memory_space<vmem>>
        %dma_start3A_76 = tpu.memref_slice %arg3[%add3A_68] : memref<100000xi32, #tpu.memory_space<hbm>> -> memref<128xi32, #tpu.memory_space<hbm>>
        tpu.enqueue_dma source(%dma_start3A_76 : memref<128xi32, #tpu.memory_space<hbm>>) target(%dma_start3A_75 : memref<128xi32, #tpu.memory_space<vmem>>) target_semaphore(%arg12 : memref<!tpu.dma_semaphore, #tpu.memory_space<semaphore_mem>>)
        %dma_start3A_77 = arith.constant 1 : i32
        %dma_start3A_78 = arith.constant 0 : i32
        %dma_start3A_79 = arith.constant 0 : i32
        %dma_start3A_80 = tpu.memref_slice %arg7[%dma_start3A_77, %dma_start3A_78, %dma_start3A_79] : memref<2x128x128xf32, #tpu.memory_space<vmem>> -> memref<1x128x128xf32, #tpu.memory_space<vmem>>
        %dma_start3A_81 = tpu.memref_squeeze %dma_start3A_80 : memref<1x128x128xf32, #tpu.memory_space<vmem>> -> memref<128x128xf32, #tpu.memory_space<vmem>>
        %dma_start3A_82 = arith.constant 0 : i32
        %dma_start3A_83 = tpu.memref_slice %arg2[%add3A_68, %dma_start3A_82] : memref<100000x128xf32, #tpu.memory_space<hbm>> -> memref<128x128xf32, #tpu.memory_space<hbm>>
        %dma_start3A_84 = arith.constant 0 : i32
        %dma_start3A_85 = arith.constant 0 : i32
        %dma_start3A_86 = tpu.memref_slice %arg7[%dma_start3A_77, %dma_start3A_84, %dma_start3A_85] : memref<2x128x128xf32, #tpu.memory_space<vmem>> -> memref<1x128x128xf32, #tpu.memory_space<vmem>>
        %dma_start3A_87 = tpu.memref_squeeze %dma_start3A_86 : memref<1x128x128xf32, #tpu.memory_space<vmem>> -> memref<128x128xf32, #tpu.memory_space<vmem>>
        %dma_start3A_88 = arith.constant 0 : i32
        %dma_start3A_89 = tpu.memref_slice %arg2[%add3A_68, %dma_start3A_88] : memref<100000x128xf32, #tpu.memory_space<hbm>> -> memref<128x128xf32, #tpu.memory_space<hbm>>
        tpu.enqueue_dma source(%dma_start3A_89 : memref<128x128xf32, #tpu.memory_space<hbm>>) target(%dma_start3A_87 : memref<128x128xf32, #tpu.memory_space<vmem>>) target_semaphore(%arg12 : memref<!tpu.dma_semaphore, #tpu.memory_space<semaphore_mem>>)
      } else {
      }
      %mul3A_38 = arith.constant 16 : i32
      %mul3A_39 = arith.muli %mul3A_27, %mul3A_38 : i32
      %add3A_40 = arith.addi %arg1, %mul3A_39 : i32
      %lt3A_41 = arith.constant 390 : i32
      %lt3A_42 = arith.cmpi slt, %add3A_40, %lt3A_41 : i32
      %convert_element_type3A_43 = arith.extui %lt3A_42 : i1 to i32
      %cond3A_44 = arith.constant 0 : i32
      %cond3A_45 = arith.cmpi ne, %convert_element_type3A_43, %cond3A_44 : i32
      scf.if %cond3A_45 {
        %mul3A_66 = arith.constant 128 : i32
        %mul3A_67 = arith.muli %add3A_40, %mul3A_66 : i32
        %add3A_68 = arith.addi %mul3A_4, %mul3A_67 : i32
        %dma_wait3A = arith.constant 0 : i32
        %dma_wait3A_69 = arith.constant 0 : i32
        %dma_wait3A_70 = tpu.memref_slice %arg6[%dma_wait3A, %dma_wait3A_69] : memref<2x128xi32, #tpu.memory_space<vmem>> -> memref<1x128xi32, #tpu.memory_space<vmem>>
        %dma_wait3A_71 = tpu.memref_squeeze %dma_wait3A_70 : memref<1x128xi32, #tpu.memory_space<vmem>> -> memref<128xi32, #tpu.memory_space<vmem>>
        %dma_wait3A_72 = tpu.memref_slice %arg3[%add3A_68] : memref<100000xi32, #tpu.memory_space<hbm>> -> memref<128xi32, #tpu.memory_space<hbm>>
        %dma_wait3A_73 = arith.constant 0 : i32
        %dma_wait3A_74 = tpu.memref_slice %arg6[%dma_wait3A, %dma_wait3A_73] : memref<2x128xi32, #tpu.memory_space<vmem>> -> memref<1x128xi32, #tpu.memory_space<vmem>>
        %dma_wait3A_75 = tpu.memref_squeeze %dma_wait3A_74 : memref<1x128xi32, #tpu.memory_space<vmem>> -> memref<128xi32, #tpu.memory_space<vmem>>
        %dma_wait3A_76 = tpu.memref_slice %arg3[%add3A_68] : memref<100000xi32, #tpu.memory_space<hbm>> -> memref<128xi32, #tpu.memory_space<hbm>>
        tpu.wait_dma2 semaphore(%arg11 : memref<!tpu.dma_semaphore, #tpu.memory_space<semaphore_mem>>) src(%dma_wait3A_76 : memref<128xi32, #tpu.memory_space<hbm>>) dst(%dma_wait3A_75 : memref<128xi32, #tpu.memory_space<vmem>>)
        %dma_wait3A_77 = arith.constant 0 : i32
        %dma_wait3A_78 = arith.constant 0 : i32
        %dma_wait3A_79 = arith.constant 0 : i32
        %dma_wait3A_80 = tpu.memref_slice %arg7[%dma_wait3A_77, %dma_wait3A_78, %dma_wait3A_79] : memref<2x128x128xf32, #tpu.memory_space<vmem>> -> memref<1x128x128xf32, #tpu.memory_space<vmem>>
        %dma_wait3A_81 = tpu.memref_squeeze %dma_wait3A_80 : memref<1x128x128xf32, #tpu.memory_space<vmem>> -> memref<128x128xf32, #tpu.memory_space<vmem>>
        %dma_wait3A_82 = arith.constant 0 : i32
        %dma_wait3A_83 = tpu.memref_slice %arg2[%add3A_68, %dma_wait3A_82] : memref<100000x128xf32, #tpu.memory_space<hbm>> -> memref<128x128xf32, #tpu.memory_space<hbm>>
        %dma_wait3A_84 = arith.constant 0 : i32
        %dma_wait3A_85 = arith.constant 0 : i32
        %dma_wait3A_86 = tpu.memref_slice %arg7[%dma_wait3A_77, %dma_wait3A_84, %dma_wait3A_85] : memref<2x128x128xf32, #tpu.memory_space<vmem>> -> memref<1x128x128xf32, #tpu.memory_space<vmem>>
        %dma_wait3A_87 = tpu.memref_squeeze %dma_wait3A_86 : memref<1x128x128xf32, #tpu.memory_space<vmem>> -> memref<128x128xf32, #tpu.memory_space<vmem>>
        %dma_wait3A_88 = arith.constant 0 : i32
        %dma_wait3A_89 = tpu.memref_slice %arg2[%add3A_68, %dma_wait3A_88] : memref<100000x128xf32, #tpu.memory_space<hbm>> -> memref<128x128xf32, #tpu.memory_space<hbm>>
        tpu.wait_dma2 semaphore(%arg11 : memref<!tpu.dma_semaphore, #tpu.memory_space<semaphore_mem>>) src(%dma_wait3A_89 : memref<128x128xf32, #tpu.memory_space<hbm>>) dst(%dma_wait3A_87 : memref<128x128xf32, #tpu.memory_space<vmem>>)
        %run_scoped3A = arith.constant 0 : i32
        %run_scoped3A_90 = arith.constant 0 : i32
        "tpu.region"() ({
          %run_scoped3A_91 = tpu.sem_alloc : memref<!tpu.dma_semaphore, #tpu.memory_space<semaphore_mem>>
          %dma_start3A = arith.constant 0 : i32
          %dma_start3A_92 = arith.constant 0 : i32
          %dma_start3A_93 = tpu.memref_slice %arg7[%run_scoped3A, %dma_start3A, %dma_start3A_92] : memref<2x128x128xf32, #tpu.memory_space<vmem>> -> memref<1x128x128xf32, #tpu.memory_space<vmem>>
          %dma_start3A_94 = tpu.memref_squeeze %dma_start3A_93 : memref<1x128x128xf32, #tpu.memory_space<vmem>> -> memref<128x128xf32, #tpu.memory_space<vmem>>
          %dma_start3A_95 = arith.constant 0 : i32
          %dma_start3A_96 = tpu.memref_slice %arg6[%run_scoped3A_90, %dma_start3A_95] : memref<2x128xi32, #tpu.memory_space<vmem>> -> memref<1x128xi32, #tpu.memory_space<vmem>>
          %dma_start3A_97 = tpu.memref_squeeze %dma_start3A_96 : memref<1x128xi32, #tpu.memory_space<vmem>> -> memref<128xi32, #tpu.memory_space<vmem>>
          %dma_start3A_98 = arith.constant 0 : i32
          %dma_start3A_99 = arith.constant 0 : i32
          %dma_start3A_100 = tpu.memref_slice %arg10[%dma_start3A_98, %dma_start3A_99] : memref<1024x128xf32, #tpu.memory_space<vmem_shared>> -> memref<1024x128xf32, #tpu.memory_space<vmem_shared>>
          tpu.enqueue_indirect_dma source(%dma_start3A_94 : memref<128x128xf32, #tpu.memory_space<vmem>>) target(%dma_start3A_100 : memref<1024x128xf32, #tpu.memory_space<vmem_shared>>) offsets(%dma_start3A_97 : memref<128xi32, #tpu.memory_space<vmem>>) semaphore(%run_scoped3A_91 : memref<!tpu.dma_semaphore, #tpu.memory_space<semaphore_mem>>) {add = true}
          %dma_wait3A_101 = arith.constant 0 : i32
          %dma_wait3A_102 = arith.constant 0 : i32
          %dma_wait3A_103 = tpu.memref_slice %arg7[%run_scoped3A, %dma_wait3A_101, %dma_wait3A_102] : memref<2x128x128xf32, #tpu.memory_space<vmem>> -> memref<1x128x128xf32, #tpu.memory_space<vmem>>
          %dma_wait3A_104 = tpu.memref_squeeze %dma_wait3A_103 : memref<1x128x128xf32, #tpu.memory_space<vmem>> -> memref<128x128xf32, #tpu.memory_space<vmem>>
          %dma_wait3A_105 = arith.constant 0 : i32
          %dma_wait3A_106 = tpu.memref_slice %arg6[%run_scoped3A_90, %dma_wait3A_105] : memref<2x128xi32, #tpu.memory_space<vmem>> -> memref<1x128xi32, #tpu.memory_space<vmem>>
          %dma_wait3A_107 = tpu.memref_squeeze %dma_wait3A_106 : memref<1x128xi32, #tpu.memory_space<vmem>> -> memref<128xi32, #tpu.memory_space<vmem>>
          %dma_wait3A_108 = arith.constant 0 : i32
          %dma_wait3A_109 = arith.constant 0 : i32
          %dma_wait3A_110 = tpu.memref_slice %arg10[%dma_wait3A_108, %dma_wait3A_109] : memref<1024x128xf32, #tpu.memory_space<vmem_shared>> -> memref<1024x128xf32, #tpu.memory_space<vmem_shared>>
          tpu.wait_indirect_dma semaphore(%run_scoped3A_91 : memref<!tpu.dma_semaphore, #tpu.memory_space<semaphore_mem>>) src(%dma_wait3A_104 : memref<128x128xf32, #tpu.memory_space<vmem>>) dst(%dma_wait3A_110 : memref<1024x128xf32, #tpu.memory_space<vmem_shared>>)
          tpu.yield
        }) : () -> ()
      } else {
      }
      %add3A_46 = arith.constant 2 : i32
      %add3A_47 = arith.addi %mul3A_27, %add3A_46 : i32
      %mul3A_48 = arith.constant 16 : i32
      %mul3A_49 = arith.muli %add3A_47, %mul3A_48 : i32
      %add3A_50 = arith.addi %arg1, %mul3A_49 : i32
      %lt3A_51 = arith.constant 390 : i32
      %lt3A_52 = arith.cmpi slt, %add3A_50, %lt3A_51 : i32
      %convert_element_type3A_53 = arith.extui %lt3A_52 : i1 to i32
      %cond3A_54 = arith.constant 0 : i32
      %cond3A_55 = arith.cmpi ne, %convert_element_type3A_53, %cond3A_54 : i32
      scf.if %cond3A_55 {
        %mul3A_66 = arith.constant 128 : i32
        %mul3A_67 = arith.muli %add3A_50, %mul3A_66 : i32
        %add3A_68 = arith.addi %mul3A_4, %mul3A_67 : i32
        %dma_start3A = arith.constant 0 : i32
        %dma_start3A_69 = arith.constant 0 : i32
        %dma_start3A_70 = tpu.memref_slice %arg6[%dma_start3A, %dma_start3A_69] : memref<2x128xi32, #tpu.memory_space<vmem>> -> memref<1x128xi32, #tpu.memory_space<vmem>>
        %dma_start3A_71 = tpu.memref_squeeze %dma_start3A_70 : memref<1x128xi32, #tpu.memory_space<vmem>> -> memref<128xi32, #tpu.memory_space<vmem>>
        %dma_start3A_72 = tpu.memref_slice %arg3[%add3A_68] : memref<100000xi32, #tpu.memory_space<hbm>> -> memref<128xi32, #tpu.memory_space<hbm>>
        %dma_start3A_73 = arith.constant 0 : i32
        %dma_start3A_74 = tpu.memref_slice %arg6[%dma_start3A, %dma_start3A_73] : memref<2x128xi32, #tpu.memory_space<vmem>> -> memref<1x128xi32, #tpu.memory_space<vmem>>
        %dma_start3A_75 = tpu.memref_squeeze %dma_start3A_74 : memref<1x128xi32, #tpu.memory_space<vmem>> -> memref<128xi32, #tpu.memory_space<vmem>>
        %dma_start3A_76 = tpu.memref_slice %arg3[%add3A_68] : memref<100000xi32, #tpu.memory_space<hbm>> -> memref<128xi32, #tpu.memory_space<hbm>>
        tpu.enqueue_dma source(%dma_start3A_76 : memref<128xi32, #tpu.memory_space<hbm>>) target(%dma_start3A_75 : memref<128xi32, #tpu.memory_space<vmem>>) target_semaphore(%arg11 : memref<!tpu.dma_semaphore, #tpu.memory_space<semaphore_mem>>)
        %dma_start3A_77 = arith.constant 0 : i32
        %dma_start3A_78 = arith.constant 0 : i32
        %dma_start3A_79 = arith.constant 0 : i32
        %dma_start3A_80 = tpu.memref_slice %arg7[%dma_start3A_77, %dma_start3A_78, %dma_start3A_79] : memref<2x128x128xf32, #tpu.memory_space<vmem>> -> memref<1x128x128xf32, #tpu.memory_space<vmem>>
        %dma_start3A_81 = tpu.memref_squeeze %dma_start3A_80 : memref<1x128x128xf32, #tpu.memory_space<vmem>> -> memref<128x128xf32, #tpu.memory_space<vmem>>
        %dma_start3A_82 = arith.constant 0 : i32
        %dma_start3A_83 = tpu.memref_slice %arg2[%add3A_68, %dma_start3A_82] : memref<100000x128xf32, #tpu.memory_space<hbm>> -> memref<128x128xf32, #tpu.memory_space<hbm>>
        %dma_start3A_84 = arith.constant 0 : i32
        %dma_start3A_85 = arith.constant 0 : i32
        %dma_start3A_86 = tpu.memref_slice %arg7[%dma_start3A_77, %dma_start3A_84, %dma_start3A_85] : memref<2x128x128xf32, #tpu.memory_space<vmem>> -> memref<1x128x128xf32, #tpu.memory_space<vmem>>
        %dma_start3A_87 = tpu.memref_squeeze %dma_start3A_86 : memref<1x128x128xf32, #tpu.memory_space<vmem>> -> memref<128x128xf32, #tpu.memory_space<vmem>>
        %dma_start3A_88 = arith.constant 0 : i32
        %dma_start3A_89 = tpu.memref_slice %arg2[%add3A_68, %dma_start3A_88] : memref<100000x128xf32, #tpu.memory_space<hbm>> -> memref<128x128xf32, #tpu.memory_space<hbm>>
        tpu.enqueue_dma source(%dma_start3A_89 : memref<128x128xf32, #tpu.memory_space<hbm>>) target(%dma_start3A_87 : memref<128x128xf32, #tpu.memory_space<vmem>>) target_semaphore(%arg11 : memref<!tpu.dma_semaphore, #tpu.memory_space<semaphore_mem>>)
      } else {
      }
      %add3A_56 = arith.constant 1 : i32
      %add3A_57 = arith.addi %mul3A_27, %add3A_56 : i32
      %mul3A_58 = arith.constant 16 : i32
      %mul3A_59 = arith.muli %add3A_57, %mul3A_58 : i32
      %add3A_60 = arith.addi %arg1, %mul3A_59 : i32
      %lt3A_61 = arith.constant 390 : i32
      %lt3A_62 = arith.cmpi slt, %add3A_60, %lt3A_61 : i32
      %convert_element_type3A_63 = arith.extui %lt3A_62 : i1 to i32
      %cond3A_64 = arith.constant 0 : i32
      %cond3A_65 = arith.cmpi ne, %convert_element_type3A_63, %cond3A_64 : i32
      scf.if %cond3A_65 {
        %mul3A_66 = arith.constant 128 : i32
        %mul3A_67 = arith.muli %add3A_60, %mul3A_66 : i32
        %add3A_68 = arith.addi %mul3A_4, %mul3A_67 : i32
        %dma_wait3A = arith.constant 1 : i32
        %dma_wait3A_69 = arith.constant 0 : i32
        %dma_wait3A_70 = tpu.memref_slice %arg6[%dma_wait3A, %dma_wait3A_69] : memref<2x128xi32, #tpu.memory_space<vmem>> -> memref<1x128xi32, #tpu.memory_space<vmem>>
        %dma_wait3A_71 = tpu.memref_squeeze %dma_wait3A_70 : memref<1x128xi32, #tpu.memory_space<vmem>> -> memref<128xi32, #tpu.memory_space<vmem>>
        %dma_wait3A_72 = tpu.memref_slice %arg3[%add3A_68] : memref<100000xi32, #tpu.memory_space<hbm>> -> memref<128xi32, #tpu.memory_space<hbm>>
        %dma_wait3A_73 = arith.constant 0 : i32
        %dma_wait3A_74 = tpu.memref_slice %arg6[%dma_wait3A, %dma_wait3A_73] : memref<2x128xi32, #tpu.memory_space<vmem>> -> memref<1x128xi32, #tpu.memory_space<vmem>>
        %dma_wait3A_75 = tpu.memref_squeeze %dma_wait3A_74 : memref<1x128xi32, #tpu.memory_space<vmem>> -> memref<128xi32, #tpu.memory_space<vmem>>
        %dma_wait3A_76 = tpu.memref_slice %arg3[%add3A_68] : memref<100000xi32, #tpu.memory_space<hbm>> -> memref<128xi32, #tpu.memory_space<hbm>>
        tpu.wait_dma2 semaphore(%arg12 : memref<!tpu.dma_semaphore, #tpu.memory_space<semaphore_mem>>) src(%dma_wait3A_76 : memref<128xi32, #tpu.memory_space<hbm>>) dst(%dma_wait3A_75 : memref<128xi32, #tpu.memory_space<vmem>>)
        %dma_wait3A_77 = arith.constant 1 : i32
        %dma_wait3A_78 = arith.constant 0 : i32
        %dma_wait3A_79 = arith.constant 0 : i32
        %dma_wait3A_80 = tpu.memref_slice %arg7[%dma_wait3A_77, %dma_wait3A_78, %dma_wait3A_79] : memref<2x128x128xf32, #tpu.memory_space<vmem>> -> memref<1x128x128xf32, #tpu.memory_space<vmem>>
        %dma_wait3A_81 = tpu.memref_squeeze %dma_wait3A_80 : memref<1x128x128xf32, #tpu.memory_space<vmem>> -> memref<128x128xf32, #tpu.memory_space<vmem>>
        %dma_wait3A_82 = arith.constant 0 : i32
        %dma_wait3A_83 = tpu.memref_slice %arg2[%add3A_68, %dma_wait3A_82] : memref<100000x128xf32, #tpu.memory_space<hbm>> -> memref<128x128xf32, #tpu.memory_space<hbm>>
        %dma_wait3A_84 = arith.constant 0 : i32
        %dma_wait3A_85 = arith.constant 0 : i32
        %dma_wait3A_86 = tpu.memref_slice %arg7[%dma_wait3A_77, %dma_wait3A_84, %dma_wait3A_85] : memref<2x128x128xf32, #tpu.memory_space<vmem>> -> memref<1x128x128xf32, #tpu.memory_space<vmem>>
        %dma_wait3A_87 = tpu.memref_squeeze %dma_wait3A_86 : memref<1x128x128xf32, #tpu.memory_space<vmem>> -> memref<128x128xf32, #tpu.memory_space<vmem>>
        %dma_wait3A_88 = arith.constant 0 : i32
        %dma_wait3A_89 = tpu.memref_slice %arg2[%add3A_68, %dma_wait3A_88] : memref<100000x128xf32, #tpu.memory_space<hbm>> -> memref<128x128xf32, #tpu.memory_space<hbm>>
        tpu.wait_dma2 semaphore(%arg12 : memref<!tpu.dma_semaphore, #tpu.memory_space<semaphore_mem>>) src(%dma_wait3A_89 : memref<128x128xf32, #tpu.memory_space<hbm>>) dst(%dma_wait3A_87 : memref<128x128xf32, #tpu.memory_space<vmem>>)
        %run_scoped3A = arith.constant 1 : i32
        %run_scoped3A_90 = arith.constant 1 : i32
        "tpu.region"() ({
          %run_scoped3A_91 = tpu.sem_alloc : memref<!tpu.dma_semaphore, #tpu.memory_space<semaphore_mem>>
          %dma_start3A = arith.constant 0 : i32
          %dma_start3A_92 = arith.constant 0 : i32
          %dma_start3A_93 = tpu.memref_slice %arg7[%run_scoped3A, %dma_start3A, %dma_start3A_92] : memref<2x128x128xf32, #tpu.memory_space<vmem>> -> memref<1x128x128xf32, #tpu.memory_space<vmem>>
          %dma_start3A_94 = tpu.memref_squeeze %dma_start3A_93 : memref<1x128x128xf32, #tpu.memory_space<vmem>> -> memref<128x128xf32, #tpu.memory_space<vmem>>
          %dma_start3A_95 = arith.constant 0 : i32
          %dma_start3A_96 = tpu.memref_slice %arg6[%run_scoped3A_90, %dma_start3A_95] : memref<2x128xi32, #tpu.memory_space<vmem>> -> memref<1x128xi32, #tpu.memory_space<vmem>>
          %dma_start3A_97 = tpu.memref_squeeze %dma_start3A_96 : memref<1x128xi32, #tpu.memory_space<vmem>> -> memref<128xi32, #tpu.memory_space<vmem>>
          %dma_start3A_98 = arith.constant 0 : i32
          %dma_start3A_99 = arith.constant 0 : i32
          %dma_start3A_100 = tpu.memref_slice %arg10[%dma_start3A_98, %dma_start3A_99] : memref<1024x128xf32, #tpu.memory_space<vmem_shared>> -> memref<1024x128xf32, #tpu.memory_space<vmem_shared>>
          tpu.enqueue_indirect_dma source(%dma_start3A_94 : memref<128x128xf32, #tpu.memory_space<vmem>>) target(%dma_start3A_100 : memref<1024x128xf32, #tpu.memory_space<vmem_shared>>) offsets(%dma_start3A_97 : memref<128xi32, #tpu.memory_space<vmem>>) semaphore(%run_scoped3A_91 : memref<!tpu.dma_semaphore, #tpu.memory_space<semaphore_mem>>) {add = true}
          %dma_wait3A_101 = arith.constant 0 : i32
          %dma_wait3A_102 = arith.constant 0 : i32
          %dma_wait3A_103 = tpu.memref_slice %arg7[%run_scoped3A, %dma_wait3A_101, %dma_wait3A_102] : memref<2x128x128xf32, #tpu.memory_space<vmem>> -> memref<1x128x128xf32, #tpu.memory_space<vmem>>
          %dma_wait3A_104 = tpu.memref_squeeze %dma_wait3A_103 : memref<1x128x128xf32, #tpu.memory_space<vmem>> -> memref<128x128xf32, #tpu.memory_space<vmem>>
          %dma_wait3A_105 = arith.constant 0 : i32
          %dma_wait3A_106 = tpu.memref_slice %arg6[%run_scoped3A_90, %dma_wait3A_105] : memref<2x128xi32, #tpu.memory_space<vmem>> -> memref<1x128xi32, #tpu.memory_space<vmem>>
          %dma_wait3A_107 = tpu.memref_squeeze %dma_wait3A_106 : memref<1x128xi32, #tpu.memory_space<vmem>> -> memref<128xi32, #tpu.memory_space<vmem>>
          %dma_wait3A_108 = arith.constant 0 : i32
          %dma_wait3A_109 = arith.constant 0 : i32
          %dma_wait3A_110 = tpu.memref_slice %arg10[%dma_wait3A_108, %dma_wait3A_109] : memref<1024x128xf32, #tpu.memory_space<vmem_shared>> -> memref<1024x128xf32, #tpu.memory_space<vmem_shared>>
          tpu.wait_indirect_dma semaphore(%run_scoped3A_91 : memref<!tpu.dma_semaphore, #tpu.memory_space<semaphore_mem>>) src(%dma_wait3A_104 : memref<128x128xf32, #tpu.memory_space<vmem>>) dst(%dma_wait3A_110 : memref<1024x128xf32, #tpu.memory_space<vmem_shared>>)
          tpu.yield
        }) : () -> ()
      } else {
      }
    }
    %scan3A_12 = arith.constant 13 : i32
    %eq3A = arith.constant 15 : i32
    %eq3A_13 = arith.cmpi eq, %arg1, %eq3A : i32
    %convert_element_type3A_14 = arith.extui %eq3A_13 : i1 to i32
    %cond3A_15 = arith.constant 0 : i32
    %cond3A_16 = arith.cmpi ne, %convert_element_type3A_14, %cond3A_15 : i32
    scf.if %cond3A_16 {
      %add3A_25 = arith.constant 49920 : i32
      %add3A_26 = arith.addi %mul3A_4, %add3A_25 : i32
      "tpu.region"() ({
        %run_scoped3A = tpu.sem_alloc : memref<!tpu.dma_semaphore, #tpu.memory_space<semaphore_mem>>
        %dma_start3A = tpu.memref_slice %arg3[%add3A_26] : memref<100000xi32, #tpu.memory_space<hbm>> -> memref<80xi32, #tpu.memory_space<hbm>>
        %dma_start3A_27 = tpu.memref_slice %arg3[%add3A_26] : memref<100000xi32, #tpu.memory_space<hbm>> -> memref<80xi32, #tpu.memory_space<hbm>>
        tpu.enqueue_dma source(%dma_start3A_27 : memref<80xi32, #tpu.memory_space<hbm>>) target(%arg8 : memref<80xi32, #tpu.memory_space<vmem>>) target_semaphore(%run_scoped3A : memref<!tpu.dma_semaphore, #tpu.memory_space<semaphore_mem>>)
        %dma_wait3A = tpu.memref_slice %arg3[%add3A_26] : memref<100000xi32, #tpu.memory_space<hbm>> -> memref<80xi32, #tpu.memory_space<hbm>>
        %dma_wait3A_28 = tpu.memref_slice %arg3[%add3A_26] : memref<100000xi32, #tpu.memory_space<hbm>> -> memref<80xi32, #tpu.memory_space<hbm>>
        tpu.wait_dma2 semaphore(%run_scoped3A : memref<!tpu.dma_semaphore, #tpu.memory_space<semaphore_mem>>) src(%dma_wait3A_28 : memref<80xi32, #tpu.memory_space<hbm>>) dst(%arg8 : memref<80xi32, #tpu.memory_space<vmem>>)
        tpu.yield
      }) : () -> ()
      "tpu.region"() ({
        %run_scoped3A = tpu.sem_alloc : memref<!tpu.dma_semaphore, #tpu.memory_space<semaphore_mem>>
        %dma_start3A = arith.constant 0 : i32
        %dma_start3A_27 = tpu.memref_slice %arg2[%add3A_26, %dma_start3A] : memref<100000x128xf32, #tpu.memory_space<hbm>> -> memref<80x128xf32, #tpu.memory_space<hbm>>
        %dma_start3A_28 = arith.constant 0 : i32
        %dma_start3A_29 = tpu.memref_slice %arg2[%add3A_26, %dma_start3A_28] : memref<100000x128xf32, #tpu.memory_space<hbm>> -> memref<80x128xf32, #tpu.memory_space<hbm>>
        tpu.enqueue_dma source(%dma_start3A_29 : memref<80x128xf32, #tpu.memory_space<hbm>>) target(%arg9 : memref<80x128xf32, #tpu.memory_space<vmem>>) target_semaphore(%run_scoped3A : memref<!tpu.dma_semaphore, #tpu.memory_space<semaphore_mem>>)
        %dma_wait3A = arith.constant 0 : i32
        %dma_wait3A_30 = tpu.memref_slice %arg2[%add3A_26, %dma_wait3A] : memref<100000x128xf32, #tpu.memory_space<hbm>> -> memref<80x128xf32, #tpu.memory_space<hbm>>
        %dma_wait3A_31 = arith.constant 0 : i32
        %dma_wait3A_32 = tpu.memref_slice %arg2[%add3A_26, %dma_wait3A_31] : memref<100000x128xf32, #tpu.memory_space<hbm>> -> memref<80x128xf32, #tpu.memory_space<hbm>>
        tpu.wait_dma2 semaphore(%run_scoped3A : memref<!tpu.dma_semaphore, #tpu.memory_space<semaphore_mem>>) src(%dma_wait3A_32 : memref<80x128xf32, #tpu.memory_space<hbm>>) dst(%arg9 : memref<80x128xf32, #tpu.memory_space<vmem>>)
        tpu.yield
      }) : () -> ()
      "tpu.region"() ({
        %run_scoped3A = tpu.sem_alloc : memref<!tpu.dma_semaphore, #tpu.memory_space<semaphore_mem>>
        %dma_start3A = arith.constant 0 : i32
        %dma_start3A_27 = arith.constant 0 : i32
        %dma_start3A_28 = tpu.memref_slice %arg10[%dma_start3A, %dma_start3A_27] : memref<1024x128xf32, #tpu.memory_space<vmem_shared>> -> memref<1024x128xf32, #tpu.memory_space<vmem_shared>>
        tpu.enqueue_indirect_dma source(%arg9 : memref<80x128xf32, #tpu.memory_space<vmem>>) target(%dma_start3A_28 : memref<1024x128xf32, #tpu.memory_space<vmem_shared>>) offsets(%arg8 : memref<80xi32, #tpu.memory_space<vmem>>) semaphore(%run_scoped3A : memref<!tpu.dma_semaphore, #tpu.memory_space<semaphore_mem>>) {add = true}
        %dma_wait3A = arith.constant 0 : i32
        %dma_wait3A_29 = arith.constant 0 : i32
        %dma_wait3A_30 = tpu.memref_slice %arg10[%dma_wait3A, %dma_wait3A_29] : memref<1024x128xf32, #tpu.memory_space<vmem_shared>> -> memref<1024x128xf32, #tpu.memory_space<vmem_shared>>
        tpu.wait_indirect_dma semaphore(%run_scoped3A : memref<!tpu.dma_semaphore, #tpu.memory_space<semaphore_mem>>) src(%arg9 : memref<80x128xf32, #tpu.memory_space<vmem>>) dst(%dma_wait3A_30 : memref<1024x128xf32, #tpu.memory_space<vmem_shared>>)
        tpu.yield
      }) : () -> ()
    } else {
    }
    %barrier3A_17 = arith.constant 0 : index
    tpu.barrier barrier_id(%barrier3A_17)
    %mul3A_18 = arith.constant 64 : i32
    %mul3A_19 = arith.muli %arg1, %mul3A_18 : i32
    %mul3A_20 = arith.constant 1024 : i32
    %mul3A_21 = arith.muli %arg0, %mul3A_20 : i32
    %mul3A_22 = arith.constant 64 : i32
    %mul3A_23 = arith.muli %arg1, %mul3A_22 : i32
    %add3A_24 = arith.addi %mul3A_21, %mul3A_23 : i32
    "tpu.region"() ({
      %run_scoped3A = tpu.sem_alloc : memref<!tpu.dma_semaphore, #tpu.memory_space<semaphore_mem>>
      %dma_start3A = arith.constant 0 : i32
      %dma_start3A_25 = tpu.memref_slice %arg5[%add3A_24, %dma_start3A] : memref<2048x128xf32, #tpu.memory_space<hbm>> -> memref<64x128xf32, #tpu.memory_space<hbm>>
      %dma_start3A_26 = arith.constant 0 : i32
      %dma_start3A_27 = tpu.memref_slice %arg10[%mul3A_19, %dma_start3A_26] : memref<1024x128xf32, #tpu.memory_space<vmem_shared>> -> memref<64x128xf32, #tpu.memory_space<vmem_shared>>
      tpu.enqueue_dma source(%dma_start3A_27 : memref<64x128xf32, #tpu.memory_space<vmem_shared>>) target(%dma_start3A_25 : memref<64x128xf32, #tpu.memory_space<hbm>>) target_semaphore(%run_scoped3A : memref<!tpu.dma_semaphore, #tpu.memory_space<semaphore_mem>>)
      %dma_wait3A = arith.constant 0 : i32
      %dma_wait3A_28 = tpu.memref_slice %arg5[%add3A_24, %dma_wait3A] : memref<2048x128xf32, #tpu.memory_space<hbm>> -> memref<64x128xf32, #tpu.memory_space<hbm>>
      %dma_wait3A_29 = arith.constant 0 : i32
      %dma_wait3A_30 = tpu.memref_slice %arg10[%mul3A_19, %dma_wait3A_29] : memref<1024x128xf32, #tpu.memory_space<vmem_shared>> -> memref<64x128xf32, #tpu.memory_space<vmem_shared>>
      tpu.wait_dma2 semaphore(%run_scoped3A : memref<!tpu.dma_semaphore, #tpu.memory_space<semaphore_mem>>) src(%dma_wait3A_30 : memref<64x128xf32, #tpu.memory_space<vmem_shared>>) dst(%dma_wait3A_28 : memref<64x128xf32, #tpu.memory_space<hbm>>)
      tpu.yield
    }) : () -> ()
    return
  }
}

module attributes {stable_mosaic.version = 14 : i64} {
  func.func @body(%arg0: i32, %arg1: memref<2x128x128xf32, #tpu.memory_space<vmem>>, %arg2: memref<128x128xf32, #tpu.memory_space<vmem>>) attributes {dimension_semantics = [#tpu.dimension_semantics<arbitrary>], iteration_bounds = array<i64: 8>, scalar_prefetch = 0 : i64, scratch_operands = 0 : i64, tpu.core_type = #tpu.core_type<tc>, window_params = [{transform_indices = @transform_0, window_bounds = array<i64: 2, 128, 128>}, {transform_indices = @transform_1, window_bounds = array<i64: 128, 128>}]} {
    %get3A = arith.constant 0 : index
    %get3A_0 = arith.constant 0 : index
    %get3A_1 = arith.constant 0 : index
    %get3A_2 = vector.load %arg1[%get3A, %get3A_0, %get3A_1] : memref<2x128x128xf32, #tpu.memory_space<vmem>>, vector<1x128x128xf32>
    %get3A_3 = vector.shape_cast %get3A_2 : vector<1x128x128xf32> to vector<128x128xf32>
    %get3A_4 = arith.constant 1 : index
    %get3A_5 = arith.constant 0 : index
    %get3A_6 = arith.constant 0 : index
    %get3A_7 = vector.load %arg1[%get3A_4, %get3A_5, %get3A_6] : memref<2x128x128xf32, #tpu.memory_space<vmem>>, vector<1x128x128xf32>
    %get3A_8 = vector.shape_cast %get3A_7 : vector<1x128x128xf32> to vector<128x128xf32>
    %add3A = arith.addf %get3A_3, %get3A_8 : vector<128x128xf32>
    %swap3A = arith.constant 0 : index
    %swap3A_9 = arith.constant 0 : index
    %swap3A_10 = vector.load %arg2[%swap3A, %swap3A_9] : memref<128x128xf32, #tpu.memory_space<vmem>>, vector<128x128xf32>
    tpu.vector_store %arg2[%swap3A, %swap3A_9], %add3A {strides = array<i32>} : memref<128x128xf32, #tpu.memory_space<vmem>>, vector<128x128xf32>,
    return
  }
  func.func @transform_0(%arg0: i32) -> (i32, i32, i32) {
    %c0_i32 = arith.constant 0 : i32
    %c0_i32_0 = arith.constant 0 : i32
    %c0_i32_1 = arith.constant 0 : i32
    return %c0_i32, %arg0, %c0_i32_0 : i32, i32, i32
  }
  func.func @transform_1(%arg0: i32) -> (i32, i32) {
    %c0_i32 = arith.constant 0 : i32
    %c0_i32_0 = arith.constant 0 : i32
    return %arg0, %c0_i32 : i32, i32
  }
}

</mosaic_0001>

<sc_bundles>
// kernel: kernel.4.cloned.1.call-start
scs
__scs_entry_jumppad:
0x0: {  	(pc) =	sbr.rel $0x88, $3  }
0x1: {  	(tag) =	ssettag $0x0;
	lr =	simm.s32 $0x1  }
0x2: {  	[smem:$0x3F9F] =	sst lr;
	_ =	strace $0xD0000000  }
0x3: {  	_ = 	snop  }
0x4: {  	_ = 	snop  }
0x5: {  	_ = 	snop  }
0x6: {  	_ = 	snop  }
0x7: {  	_ = 	snop  }
__scs_overlays_trampoline_lowered:
0x8: {  	[smem:$0x3FAE] =	sst s0  }
0x9: {  	[smem:$0x3FAF] =	sst s1  }
0xa: {  	[smem:$0x3FB0] =	sst s2  }
0xb: {  	[smem:$0x3FB1] =	sst s3  }
0xc: {  	[smem:$0x3FB2] =	sst s4  }
0xd: {  	[smem:$0x3FB3] =	sst s5  }
0xe: {  	[smem:$0x3FB4] =	sst s6  }
0xf: {  	[smem:$0x3FB5] =	sst s7  }
0x10: {  	[smem:$0x3FB6] =	sst s8  }
0x11: {  	[smem:$0x3FB7] =	sst s9;
	s0 =	simm.s32 @!p0 $0x0  }
0x12: {  	s1 =	sld [smem:$0x3F9D];
	s0 =	simm.s32 @p0 $0x1  }
0x13: {  	[smem:$0x3FB8] =	sst s0;
	s0 =	simm.s32 @!p1 $0x0  }
0x14: {  	s2 =	sld [smem:$0x3F9C];
	s0 =	simm.s32 @p1 $0x1  }
0x15: {  	[smem:$0x3FB9] =	sst s0;
	s0 =	simm.s32 @!p2 $0x0  }
0x16: {  	s3 =	sld [smem:$0x3FDB];
	s0 =	simm.s32 @p2 $0x1  }
0x17: {  	s4 =	simm.s32 $0x1BF5;
	[smem:$0x3FBB] =	sst s0  }
0x18: {  	s0 =	sld [smem:$0x3F9E];
	_ =	swait.ge [sflag:s4], $0x0  }
0x19: {  	s7 =	sld [smem:$0x3F9F]  }
0x1a: {  	s8 =	sadd.s32 $0xFFFFE003, lr  }
0x1b: {  	s9 =	sadd.s32 $0xFFFFFEF7, lr;
	s5 =	simm.s32 $0xFFFFFFFF;
	p2 =	slt.u32 s8, $0xFFFFF086  }
0x1c: {  	p1 =	slt.u32 s9, $0xF7A;
	s5 =	simm.s32 @!p2 $0x0  }
0x1d: {  	s5 =	simm.s32 @p1 $0x1;
	p0 =	seq.s32 s7, s2  }
0x1e: {  	s7 =	smul.u32 @!p0 $0xF7A, s2;
	p2 =	seq.s32 @!p0 s5, $0x0  }
0x1f: {  	s9 =	smul.u32 $0xF7A, s1;
	s8 =	simm.s32 @!p0 $0x1BF5;
	p2 =	por !p2, p0  }
0x20: {  	[sflag:s8] =	ssyncset.s32 @!p0 $0xFFFFF086;
	s6 =	sadd.s32 @!p0 s3, s7;
	s7 =	simm.s32 @!p0 $0x108  }
0x21: {  	s3 =	sadd.s32 s3, s9;
	s6 =	sadd.s32 @!p0 $0x88, s6;
	s7 =	simm.s32 @p2 $0x1082  }
0x22: {  	[simem:s7], [sflag:s8] =	dma.local @!p0 [hbm:s6], $0xF7A  }
0x23: {  	s9 =	sor.u32 $0xD0000000, s2;
	s6 =	simm.s32 $0x108;
	_ =	swait.ge @!p0 [sflag:s8], $0x0  }
0x24: {  	s3 =	sadd.s32 $0x88, s3;
	s6 =	simm.s32 @!p1 $0x1082;
	[sflag:s4] =	ssyncset.s32 $0xFFFFF086  }
0x25: {  	[simem:s6], [sflag:s4] =	dma.local [hbm:s3], $0xF7A  }
0x26: {  	[smem:$0x3F9F] =	sst s1;
	(tag) =	ssettag s2;
	_ =	strace s9  }
0x27: {  	s1 =	sld [smem:$0x3FAF]  }
0x28: {  	s2 =	sld [smem:$0x3FB0]  }
0x29: {  	s4 =	sld [smem:$0x3FB2]  }
0x2a: {  	p0 =	seq.s32 s5, $0x0;
	s5 =	sld [smem:$0x3FB3]  }
0x2b: {  	s6 =	sld [smem:$0x3FB4]  }
0x2c: {  	s7 =	sld [smem:$0x3FB5]  }
0x2d: {  	s3 =	simm.s32 $0x108;
	s8 =	sld [smem:$0x3FB6]  }
0x2e: {  	s3 =	simm.s32 @!p0 $0x1082;
	s9 =	sld [smem:$0x3FB7]  }
0x2f: {  	lr =	sadd.s32 s0, s3;
	s0 =	sld [smem:$0x3FAE]  }
0x30: {  	s3 =	sld [smem:$0x3FB1]  }
0x31: {  	[smem:$0x3FBA] =	sst s10  }
0x32: {  	s10 =	sld [smem:$0x3FB8];
	_ =	sdelay $0x3  }
0x33: {  	p0 =	seq.s32 s10, $0x1;
	s10 =	sld [smem:$0x3FBA];
	_ =	sdelay $0x3  }
0x34: {  	[smem:$0x3FBA] =	sst s10  }
0x35: {  	s10 =	sld [smem:$0x3FB9];
	_ =	sdelay $0x3  }
0x36: {  	p1 =	seq.s32 s10, $0x1;
	s10 =	sld [smem:$0x3FBA];
	_ =	sdelay $0x3  }
0x37: {  	[smem:$0x3FBA] =	sst s10  }
0x38: {  	s10 =	sld [smem:$0x3FBB]  }
0x39: {  	_ = 	snop;
	(pc) =	sbr.ind lr, $3  }
0x3a: {  	_ = 	snop  }
0x3b: {  	_ = 	snop  }
0x3c: {  	p2 =	seq.s32 s10, $0x1;
	s10 =	sld [smem:$0x3FBA]  }
0x3d: {  	_ =	shalt  }
0x3e: {  	_ =	shalt  }
0x3f: {  	_ =	shalt  }
0x40: {  	_ =	shalt  }
0x41: {  	_ =	shalt  }
0x42: {  	_ =	shalt  }
0x43: {  	_ =	shalt  }
0x44: {  	_ =	shalt  }
0x45: {  	_ =	shalt  }
0x46: {  	_ =	shalt  }
0x47: {  	_ =	shalt  }
0x48: {  	_ =	shalt  }
0x49: {  	_ =	shalt  }
0x4a: {  	_ =	shalt  }
0x4b: {  	_ =	shalt  }
0x4c: {  	_ =	shalt  }
0x4d: {  	_ =	shalt  }
0x4e: {  	_ =	shalt  }
0x4f: {  	_ =	shalt  }
0x50: {  	_ =	shalt  }
0x51: {  	_ =	shalt  }
0x52: {  	_ =	shalt  }
0x53: {  	_ =	shalt  }
0x54: {  	_ =	shalt  }
0x55: {  	_ =	shalt  }
0x56: {  	_ =	shalt  }
0x57: {  	_ =	shalt  }
0x58: {  	_ =	shalt  }
0x59: {  	_ =	shalt  }
0x5a: {  	_ =	shalt  }
0x5b: {  	_ =	shalt  }
0x5c: {  	_ =	shalt  }
0x5d: {  	_ =	shalt  }
0x5e: {  	_ =	shalt  }
0x5f: {  	_ =	shalt  }
0x60: {  	_ =	shalt  }
0x61: {  	_ =	shalt  }
0x62: {  	_ =	shalt  }
0x63: {  	_ =	shalt  }
0x64: {  	_ =	shalt  }
0x65: {  	_ =	shalt  }
0x66: {  	_ =	shalt  }
0x67: {  	_ =	shalt  }
0x68: {  	_ =	shalt  }
0x69: {  	_ =	shalt  }
0x6a: {  	_ =	shalt  }
0x6b: {  	_ =	shalt  }
0x6c: {  	_ =	shalt  }
0x6d: {  	_ =	shalt  }
0x6e: {  	_ =	shalt  }
0x6f: {  	_ =	shalt  }
0x70: {  	_ =	shalt  }
0x71: {  	_ =	shalt  }
0x72: {  	_ =	shalt  }
0x73: {  	_ =	shalt  }
0x74: {  	_ =	shalt  }
0x75: {  	_ =	shalt  }
0x76: {  	_ =	shalt  }
0x77: {  	_ =	shalt  }
0x78: {  	_ =	shalt  }
0x79: {  	_ =	shalt  }
0x7a: {  	_ =	shalt  }
0x7b: {  	_ =	shalt  }
0x7c: {  	_ =	shalt  }
0x7d: {  	_ =	shalt  }
0x7e: {  	_ =	shalt  }
0x7f: {  	_ =	shalt  }
0x80: {  	_ =	shalt  }
0x81: {  	_ =	shalt  }
0x82: {  	_ =	shalt  }
0x83: {  	_ =	shalt  }
0x84: {  	_ =	shalt  }
0x85: {  	_ =	shalt  }
0x86: {  	_ =	shalt  }
0x87: {  	_ =	shalt  }
.Lfunc_end0:
.L_simem_size_0:
called_computation_lowered:
.L_overlay_start_0:
0x88: {  	s2 =	sld [smem:$0x3FD9]  }
0x89: {  	s3 =	sld [smem:$0x3FFE];
	_ =	sdelay $0x1  }
0x8a: {  	s1 =	srdreg.scid  }
0x8b: {  	s0 =	sand.u32 $0x1, s1  }
0x8c: {  	s17 =	sshll.u32 s0, $0xA;
	s2 =	sadd.s32 s3, s2  }
0x8d: {  	s2 =	sadd.s32 s2, s17  }
0x8e: {  	[smem:$0x3FC6] =	sst s2  }
0x8f: {  	_ = 	snop  }
0x90: {  	s2 =	sld [smem:$0x3FC9]  }
0x91: {  	s18 =	sld [smem:$0x3FC8]  }
0x92: {  	s4 =	sld [smem:$0x3FD0];
	(tm) =	ssettm $0x1  }
0x93: {  	s5 =	sld [smem:$0x3FFB];
	_ =	sdelay $0x3  }
0x94: {  	_ =	strace s5  }
0x95: {  	s5 =	sld [smem:$0x3FFC];
	_ =	sdelay $0x3  }
0x96: {  	_ =	strace s5  }
0x97: {  	s5 =	sld [smem:$0x3FFD];
	_ =	sdelay $0x3  }
0x98: {  	_ =	strace s5  }
0x99: {  	_ =	strace $0x8FFFFFFF  }
0x9a: {  	s19 =	sld [smem:$0x3FDB];
	_ =	sdelay $0x1  }
0x9b: {  	s6 =	simm.s32 $_scs_section_size  }
0x9c: {  	s7 =	simm.s32 $_size__tile_overlayer_lowered;
	s8 =	simm.s32 $_tile_overlayer_lowered  }
0x9d: {  	s22 =	simm.s32 $0x1BFF;
	s21 =	sshll.u32 s8, $0x1;
	s5 =	sadd.s32 s6, s19  }
0x9e: {  	s9 =	simm.s32 $0x0;
	s20 =	sshll.u32 s7, $0x1;
	s7 =	sadd.s32 s21, s5  }
0x9f: {  	[timem:s9], [sflag:s22] =	dma.local [hbm:s7], s20  }
0xa0: {  	_ =	swait.ge [sflag:s22], s20  }
0xa1: {  	s6 =	ssub.s32 $0x0, s20;
	[sflag:s22] =	ssyncset.done $0x0  }
0xa2: {  	[sflag:s22] =	ssyncadd.s32 s6;
	_ =	sdelay $0x1  }
0xa3: {  	s23 =	simm.s32 $0x1B8B  }
0xa4: {  	_ =	swait.ge [sflag:s23], $0x1  }
0xa5: {  	[sflag:s23] =	ssyncset.done $0x0  }
0xa6: {  	s25 =	simm.s32 $0x1B8E;
	s24 =	sld [smem:$0x3FFE];
	[sflag:s23] =	ssyncadd.s32 $0xFFFFFFFF  }
0xa7: {  	s26 =	simm.s32 $execute0_lowered;
	[smem:$0x3FD2] =	sst s25  }
0xa8: {  	s7 =	sshll.u32 s26, $0x1;
	_ =	strace $0x80000046;
	[dreg:$0x1] =	wrdreg $0xFFFFFFFF  }
0xa9: {  	s28 =	simm.s32 $_size_execute0_lowered;
	s5 =	sadd.s32 s5, s7;
	[dreg:$0x0] =	wrdreg $0x0  }
0xaa: {  	s7 =	sshll.u32 s28, $0x1;
	[dreg:$0x2] =	wrdreg s5  }
0xab: {  	[dreg:$0x3] =	wrdreg s7  }
0xac: {  	[dreg:$0x4] =	wrdreg $0xC0  }
0xad: {  	_ =	task [dreg:s9], $0x5FFFF  }
0xae: {  	[dreg:$0x1] =	wrdreg $0xFFFFFFFF  }
0xaf: {  	[dreg:$0x0] =	wrdreg $0x60  }
0xb0: {  	[dreg:$0x2] =	wrdreg s2  }
0xb1: {  	[dreg:$0x3] =	wrdreg s18  }
0xb2: {  	[dreg:$0x4] =	wrdreg s4  }
0xb3: {  	[dreg:$0x5] =	wrdreg s24  }
0xb4: {  	[dreg:$0x6] =	wrdreg $0xA9800  }
0xb5: {  	[dreg:$0x7] =	wrdreg $0x9  }
0xb6: {  	_ =	task.clear_ibuf [dreg:s9], $0x8FFFF;
	_ =	strace $0x90000046  }
0xb7: {  	s29 =	simm.s32 $0x9;
	_ =	strace $0x80000048  }
0xb8: {  	_ =	swait.ge [sflag:s29], $0x1  }
0xb9: {  	[sflag:s29] =	ssyncadd.s32 $0xFFFFFFFF  }
0xba: {  	_ =	strace $0x90000048  }
0xbb: {  	_ =	sfence  }
0xbc: {  	s30 =	sld [smem:$0x0];
	_ =	sdelay $0x2  }
0xbd: {  	s31 =	sshll.u32 s1, $0xD;
	s1 =	sshrl.u32 s1, $0x2  }
0xbe: {  	s3 =	sand.u32 $0x4000, s31;
	s1 =	sadd.s32 s1, s30  }
0xbf: {  	s0 =	sor.u32 s3, s0;
	s1 =	sshll.u32 s1, $0x11  }
0xc0: {  	s0 =	sor.u32 s1, s0  }
0xc1: {  	s0 =	sadd.s32 $0x8F2B, s0  }
0xc2: {  	[sflag:s0] =	ssyncadd.remote.s32 $0x1  }
0xc3: {  	_ =	sfence.sel $0xFFFF  }
0xc4: {  	[dreg:$0x0] =	wrdreg $0xFFFFFFFF;
	(pc) =	sbr.abs _section_cstart, $3  }
0xc5: {  	[dreg:$0x1] =	wrdreg $0xFFFFFFFF  }
0xc6: {  	_ =	task.clear_ibuf [dreg:s9], $0x2FFFF;
	_ =	strace $0x9FFFFFFF  }
0xc7: {  	(tm) =	ssettm $0x7FFFFFFF  }
tec
execute0_lowered:
.L_overlay_start_1:
0x0: {  	(tag) =	ssettag $0x1  }
0x1: {  	s12 =	rddreg [dreg:$0x0]  }
0x2: {  	s1 =	rddreg [dreg:$0x1]  }
0x3: {  	s5 =	rddreg [dreg:$0x2]  }
0x4: {  	s6 =	rddreg [dreg:$0x3]  }
0x5: {  	s2 =	rddreg [dreg:$0x4];
	s4 =	simm.s32 $0x0;
	s7 =	srdreg.scid  }
0x6: {  	s0 =	stileid.u32;
	s19 =	simm.s32 $0x100;
	s20 =	simm.s32 $0x80  }
0x7: {  	[smem:$0x7FF] =	sst s4;
	s9 =	sand.u32 $0x1, s7;
	s21 =	sshll.u32 s0, $0xA  }
0x8: {  	s23 =	sshll.u32 s0, $0xD;
	s24 =	sshll.u32 s0, $0x7;
	s25 =	sshll.u32 s0, $0x6  }
0x9: {  	s29 =	sshll.u32 s0, $0xB;
	p0 =	sgt.u32 s0, $0x5;
	_ =	strace $0x80000047  }
0xa: {  	s8 =	ssub.s32 $0x2, s9;
	s10 =	sadd.s32 s21, s6;
	s11 =	smul.u32 $0xC350, s9  }
0xb: {  	s17 =	sadd.s32 s23, s2;
	s5 =	sadd.s32 s5, s21;
	s6 =	sor.u32 $0x1C03, s25  }
0xc: {  	s16 =	sshll.u32 s9, $0xE;
	s18 =	smul.u32 $0xC3500, s9;
	s21 =	simm.s32 $0x4100  }
0xd: {  	s23 =	simm.s32 $0x4;
	p1 =	sne.s32 @p0 s0, $0xF;
	s25 =	simm.s32 $0x0  }
0xe: {  	s22 =	sshrl.u32 s8, $0x1;
	s16 =	sadd.s32 s16, s10;
	s17 =	sshrl.u32 s17, $0x3  }
0xf: {  	p1 =	por p1, !p0;
	s13 =	ssub.s32 s8, s22;
	s15 =	sadd.s32 s24, s11  }
0x10: {  	s11 =	sadd.s32 $0xC300, s11;
	s28 =	sadd.s32 s18, s12;
	s18 =	simm.s32 $0x3  }
0x11: {  	s22 =	simm.s32 $0x1;
	s24 =	simm.s32 $0x2;
	s26 =	sshrl.u32 s15, $0x3  }
0x12: {  	s8 =	sshll.u32 s15, $0x4;
	s14 =	sshrl.u32 s11, $0x3;
	s11 =	sshll.u32 s11, $0x4  }
0x13: {  	s30 =	sadd.s32 $0x800, s15;
	s15 =	sadd.s32 $0x1000, s15;
	s7 =	sadd.s32 s1, s26  }
0x14: {  	s8 =	sadd.s32 s12, s8;
	s9 =	sadd.s32 s1, s14;
	s10 =	sadd.s32 s12, s11  }
0x15: {  	s11 =	sadd.s32 $0x600, s16;
	s12 =	smax.u32 s13, $0x1;
	s31 =	sshrl.u32 s30, $0x3  }
0x16: {  	s13 =	sadd.s32 s29, s28;
	s16 =	sor.u32 $0x20, s0;
	s14 =	sadd.s32 s31, s1  }
.LBB2_1:
0x17: {  	[spmem:s17], [sflag:s6] =	dma.local [hbm:s5], $0x400  }
0x18: {  	_ =	swait.ge [sflag:s18], $0x400  }
0x19: {  	[sflag:s18] =	ssyncset.done $0x0  }
0x1a: {  	[sflag:s18] =	ssyncadd.s32 $0xFFFFFC00  }
0x1b: {  	[bflag:$0x0] =	sbarrier.arrive $0xFFFF  }
0x1c: {  	[tilespmem:s4], [sflag:$0x1] =	stream.linear.gather [hbm4b:s7+s4], $0x80, $0x38;
	[tilespmem:$0xC980] =	vst v63  }
0x1d: {  	_ = 	snop  }
0x1e: {  	[tilespmem:s19], [sflag:$0x1] =	stream.linear.gather [hbm4b:s8+s4], $0x4000, $0x38;
	[tilespmem:$0xC980] =	vst v63  }
0x1f: {  	s26 =	sadd.s32 $0x0, s13  }
0x20: {  	[tilespmem:s20], [sflag:$0x2] =	stream.linear.gather [hbm4b:s14+s4], $0x80, $0x38;
	[tilespmem:$0xC980] =	vst v63  }
0x21: {  	s26 =	sadd.s32 $0x8000, s26  }
0x22: {  	[tilespmem:s21], [sflag:$0x2] =	stream.linear.gather [hbm4b:s26+s4], $0x4000, $0x38;
	[tilespmem:$0xC980] =	vst v63  }
0x23: {  	_ =	swait.ge [sflag:s22], $0x80  }
0x24: {  	[sflag:s22] =	ssyncset.done $0x0  }
0x25: {  	[sflag:s22] =	ssyncadd.s32 $0xFFFFFF80  }
0x26: {  	_ =	swait.ge [sflag:s22], $0x4000  }
0x27: {  	[sflag:s22] =	ssyncset.done $0x0  }
0x28: {  	[sflag:s22] =	ssyncadd.s32 $0xFFFFC000  }
0x29: {  	[spmem:s2] =	stream.indirect.scatter.add.f32 [tilespmem:s19], [sflag:$0x4], $0x80, s4, s20, $0xb8;
	[tilespmem:$0xC980] =	vst v63  }
0x2a: {  	p2 =	sgt.u32 s16, $0x185;
	_ =	swait.ge [sflag:s23], $0x4000  }
0x2b: {  	s28 =	sadd.s32 @!p2 $0x0, s13;
	s26 =	sshrl.u32 @!p2 s15, $0x3;
	[sflag:s23] =	ssyncset.done $0x0  }
0x2c: {  	s29 =	simm.s32 @!p2 $0x0;
	s26 =	sadd.s32 @!p2 s1, s26;
	[sflag:s23] =	ssyncadd.s32 $0xFFFFC000  }
0x2d: {  	[tilespmem:s29], [sflag:$0x1] =	stream.linear.gather @!p2 [hbm4b:s26+s29], $0x80, $0x38;
	[tilespmem:$0xC980] =	vst v63  }
0x2e: {  	s26 =	sadd.s32 @!p2 $0x10000, s28;
	s28 =	simm.s32 @!p2 $0x100  }
0x2f: {  	[tilespmem:s28], [sflag:$0x1] =	stream.linear.gather @!p2 [hbm4b:s26+s29], $0x4000, $0x38;
	[tilespmem:$0xC980] =	vst v63  }
0x30: {  	_ =	swait.ge [sflag:s24], $0x80  }
0x31: {  	[sflag:s24] =	ssyncset.done $0x0  }
0x32: {  	[sflag:s24] =	ssyncadd.s32 $0xFFFFFF80  }
0x33: {  	_ =	swait.ge [sflag:s24], $0x4000  }
0x34: {  	[sflag:s24] =	ssyncset.done $0x0  }
0x35: {  	[sflag:s24] =	ssyncadd.s32 $0xFFFFC000  }
0x36: {  	[spmem:s2] =	stream.indirect.scatter.add.f32 [tilespmem:s21], [sflag:$0x3], $0x80, s20, s20, $0xb8;
	[tilespmem:$0xC980] =	vst v63  }
0x37: {  	s30 =	sadd.s32 $0x1000, s15;
	s26 =	simm.s32 $0x10000;
	_ =	swait.ge [sflag:s18], $0x4000  }
0x38: {  	s28 =	sadd.s32 $0x20, s16;
	s29 =	sadd.s32 $0x200, s14;
	[sflag:s18] =	ssyncset.done $0x0  }
.LBB2_2:
0x39: {  	s31 =	sadd.s32 s26, s13  }
0x3a: {  	[sflag:s18] =	ssyncadd.s32 $0xFFFFC000;
	s0 =	smov.u32 s26;
	s26 =	sadd.s32 $0x10000, s26  }
0x3b: {  	[tilespmem:s20], [sflag:$0x2] =	stream.linear.gather [hbm4b:s29+s4], $0x80, $0x38;
	[tilespmem:$0xC980] =	vst v63  }
0x3c: {  	s31 =	sadd.s32 $0x8000, s31;
	p2 =	sne.s32 s26, $0xC0000  }
0x3d: {  	[tilespmem:s21], [sflag:$0x2] =	stream.linear.gather [hbm4b:s31+s4], $0x4000, $0x38;
	[tilespmem:$0xC980] =	vst v63  }
0x3e: {  	_ =	swait.ge [sflag:s22], $0x80  }
0x3f: {  	[sflag:s22] =	ssyncset.done $0x0  }
0x40: {  	[sflag:s22] =	ssyncadd.s32 $0xFFFFFF80  }
0x41: {  	_ =	swait.ge [sflag:s22], $0x4000  }
0x42: {  	[sflag:s22] =	ssyncset.done $0x0  }
0x43: {  	[sflag:s22] =	ssyncadd.s32 $0xFFFFC000  }
0x44: {  	[spmem:s2] =	stream.indirect.scatter.add.f32 [tilespmem:s19], [sflag:$0x4], $0x80, s4, s20, $0xb8;
	[tilespmem:$0xC980] =	vst v63  }
0x45: {  	p3 =	sgt.u32 s28, $0x185;
	_ =	swait.ge [sflag:s23], $0x4000  }
0x46: {  	s0 =	sadd.s32 @!p3 s0, s13;
	s31 =	sshrl.u32 @!p3 s30, $0x3;
	[sflag:s23] =	ssyncset.done $0x0  }
0x47: {  	s3 =	simm.s32 @!p3 $0x0;
	s31 =	sadd.s32 @!p3 s1, s31;
	[sflag:s23] =	ssyncadd.s32 $0xFFFFC000  }
0x48: {  	[tilespmem:s3], [sflag:$0x1] =	stream.linear.gather @!p3 [hbm4b:s31+s3], $0x80, $0x38;
	[tilespmem:$0xC980] =	vst v63  }
0x49: {  	s0 =	sadd.s32 @!p3 $0x10000, s0;
	s31 =	simm.s32 @!p3 $0x100  }
0x4a: {  	[tilespmem:s31], [sflag:$0x1] =	stream.linear.gather @!p3 [hbm4b:s0+s3], $0x4000, $0x38;
	[tilespmem:$0xC980] =	vst v63  }
0x4b: {  	_ =	swait.ge [sflag:s24], $0x80  }
0x4c: {  	[sflag:s24] =	ssyncset.done $0x0  }
0x4d: {  	[sflag:s24] =	ssyncadd.s32 $0xFFFFFF80  }
0x4e: {  	_ =	swait.ge [sflag:s24], $0x4000  }
.Ltmp0:
0x4f: {  	[sflag:s24] =	ssyncset.done $0x0;
	(pc) =	sbr.rel @p2 .LBB2_2-.Ltmp0, $4  }
0x50: {  	[sflag:s24] =	ssyncadd.s32 $0xFFFFC000  }
0x51: {  	[spmem:s2] =	stream.indirect.scatter.add.f32 [tilespmem:s21], [sflag:$0x3], $0x80, s20, s20, $0xb8;
	[tilespmem:$0xC980] =	vst v63  }
0x52: {  	s28 =	sadd.s32 $0x20, s28;
	_ =	swait.ge [sflag:s18], $0x4000  }
0x53: {  	s29 =	sadd.s32 $0x200, s29;
	s30 =	sadd.s32 $0x1000, s30;
	[sflag:s18] =	ssyncset.done $0x0  }
0x54: {  	[sflag:s18] =	ssyncadd.s32 $0xFFFFC000  }
0x55: {  	s0 =	simm.s32 @!p1 $0x0;
	s3 =	simm.s32 @!p1 $0x8100;
	s26 =	simm.s32 @!p1 $0x3  }
0x56: {  	[tilespmem:s3], [sflag:$0x3] =	stream.linear.gather @!p1 [hbm4b:s9+s0], $0x50, $0x38;
	[tilespmem:$0xC980] =	vst v63  }
0x57: {  	_ =	swait.ge @!p1 [sflag:s26], $0x50  }
0x58: {  	[sflag:s26] =	ssyncset.done @!p1 $0x0  }
0x59: {  	s28 =	simm.s32 @!p1 $0x8180;
	[sflag:s26] =	ssyncadd.s32 @!p1 $0xFFFFFFB0  }
0x5a: {  	[tilespmem:s28], [sflag:$0x3] =	stream.linear.gather @!p1 [hbm4b:s10+s0], $0x2800, $0x38;
	[tilespmem:$0xC980] =	vst v63  }
0x5b: {  	_ =	swait.ge @!p1 [sflag:s26], $0x2800  }
0x5c: {  	[sflag:s26] =	ssyncset.done @!p1 $0x0  }
0x5d: {  	s0 =	simm.s32 @!p1 $0x50;
	[sflag:s26] =	ssyncadd.s32 @!p1 $0xFFFFD800  }
0x5e: {  	[spmem:s2] =	stream.indirect.scatter.add.f32 @!p1 [tilespmem:s28], [sflag:$0x3], $0x80, s3, s0, $0xb8;
	[tilespmem:$0xC980] =	vst v63  }
0x5f: {  	_ =	swait.ge @!p1 [sflag:s26], $0x2800  }
0x60: {  	[sflag:s26] =	ssyncset.done @!p1 $0x0  }
0x61: {  	s0 =	simm.s32 @!p0 $0x1;
	[sflag:s26] =	ssyncadd.s32 @!p1 $0xFFFFD800  }
0x62: {  	_ =	swait.ge @!p0 [sflag:s0], $0x80  }
0x63: {  	[sflag:s0] =	ssyncset.done @!p0 $0x0  }
0x64: {  	[sflag:s0] =	ssyncadd.s32 @!p0 $0xFFFFFF80  }
0x65: {  	_ =	swait.ge @!p0 [sflag:s0], $0x4000  }
0x66: {  	s3 =	simm.s32 @!p0 $0x0;
	[sflag:s0] =	ssyncset.done @!p0 $0x0  }
0x67: {  	s26 =	simm.s32 @!p0 $0x100;
	[sflag:s0] =	ssyncadd.s32 @!p0 $0xFFFFC000;
	s0 =	simm.s32 @!p0 $0x80  }
0x68: {  	[spmem:s2] =	stream.indirect.scatter.add.f32 @!p0 [tilespmem:s26], [sflag:$0x4], $0x80, s3, s0, $0xb8;
	[tilespmem:$0xC980] =	vst v63  }
0x69: {  	s0 =	simm.s32 @!p0 $0x4  }
0x6a: {  	_ =	swait.ge @!p0 [sflag:s0], $0x4000  }
0x6b: {  	s25 =	sadd.s32 $0x1, s25;
	[sflag:s0] =	ssyncset.done @!p0 $0x0  }
0x6c: {  	p2 =	sne.s32 s25, s12;
	[sflag:s0] =	ssyncadd.s32 @!p0 $0xFFFFC000  }
.Ltmp1:
0x6d: {  	[bflag:$0x0] =	sbarrier.arrive $0xFFFF;
	(pc) =	sbr.rel @p2 .LBB2_1-.Ltmp1, $4  }
0x6e: {  	[hbm:s11], [sflag:s6] =	dma.local [spmem:s17], $0x400  }
0x6f: {  	_ =	swait.ge [sflag:s18], $0x400  }
0x70: {  	[sflag:s18] =	ssyncset.done $0x0  }
0x71: {  	[sflag:s18] =	ssyncadd.s32 $0xFFFFFC00  }
0x72: {  	_ =	sfence.sel $0x180000  }
0x73: {  	[bflag:$0x0] =	sbarrier.arrive $0xFFFF  }
0x74: {  	_ =	strace $0x90000047  }
0x75: {  	s0 =	stileid.u32;
	[bflag:$0x2] =	sbarrier.arrive $0xFFFF  }
0x76: {  	p0 =	sne.s32 s0, $0x0;
	s0 =	rddreg [dreg:$0x5]  }
0x77: {  	s0 =	sadd.s32 @!p0 $0x100000, s0  }
0x78: {  	[sflag:s0] =	ssyncadd.tile.s32 @!p0 $0x1;
	_ =	shalt  }
.Lfunc_end2:
_tile_overlayer_lowered:
.L_overlay_start_2:
0x79: {  	(tag) =	ssettag $0x2  }
0x7a: {  	s0 =	rddreg [dreg:$0x0];
	s2 =	stileid.u32  }
0x7b: {  	s1 =	rddreg [dreg:$0x1];
	p0 =	sne.s32 s2, $0x0  }
0x7c: {  	s3 =	rddreg [dreg:$0x2];
	[bflag:$0x3] =	sbarrier.arrive $0xFFFF;
	s2 =	simm.s32 @!p0 $0x1C03  }
0x7d: {  	[timem:s3], [sflag:s2] =	dma.local @!p0 [hbm:s0], s1  }
0x7e: {  	s0 =	simm.s32 @!p0 $0x3  }
0x7f: {  	_ =	swait.ge @!p0 [sflag:s0], s1  }
0x80: {  	s1 =	ssub.s32 @!p0 $0x0, s1;
	[sflag:s0] =	ssyncset.done @!p0 $0x0  }
0x81: {  	[sflag:s0] =	ssyncadd.s32 @!p0 s1  }
0x82: {  	[bflag:$0x3] =	sbarrier.arrive $0xFFFF  }
0x83: {  	_ =	shalt  }

</sc_bundles>
